<compile_context>
chip_gen: v7x
topology: tpu7x:2x2x1
jax: 0.10.2.dev20260603
libtpu: 0.0.44.dev20260713+nightly
codegen_flags: <defaults>
</compile_context>

<pallas_src>
import functools

import jax
import jax.numpy as jnp
from jax import lax
from jax.experimental import pallas as pl
from jax.experimental.pallas import tpu as pltpu
from jax.experimental.pallas import tpu_sc as plsc

BATCH = 16384
EMBED_DIM = 64
PAIR_DIM = 2 * EMBED_DIM
CHUNK = 256
NUM_ROWS = 1000000
STRIP = 8192


HALF_ROWS = 507904


def _tc_transpose_pack(table_t):

    def body(a_ref, b_ref, o_ref):
        rows = jax.lax.broadcasted_iota(jnp.int32, (EMBED_DIM, EMBED_DIM), 0)
        cols = jax.lax.broadcasted_iota(jnp.int32, (EMBED_DIM, EMBED_DIM), 1)
        eye = (rows == cols).astype(jnp.bfloat16)
        a16 = a_ref[...].astype(jnp.bfloat16)
        b16 = b_ref[...].astype(jnp.bfloat16)
        at = jax.lax.dot_general(
            a16, eye, (((0,), (0,)), ((), ())),
            preferred_element_type=jnp.float32,
        )
        bt = jax.lax.dot_general(
            b16, eye, (((0,), (0,)), ((), ())),
            preferred_element_type=jnp.float32,
        )
        o_ref[...] = jax.lax.concatenate([at, bt], 1)

    n_steps = HALF_ROWS // STRIP

    return pl.pallas_call(
        body,
        grid=(n_steps,),
        in_specs=[
            pl.BlockSpec((EMBED_DIM, STRIP), lambda i: (0, i)),
            pl.BlockSpec(
                (EMBED_DIM, STRIP),
                lambda i: (0, jnp.minimum(n_steps + i, NUM_ROWS // STRIP)),
            ),
        ],
        out_specs=pl.BlockSpec((STRIP, PAIR_DIM), lambda i: (i, 0)),
        out_shape=jax.ShapeDtypeStruct((HALF_ROWS, PAIR_DIM), jnp.float32),
        compiler_params=pltpu.CompilerParams(
            dimension_semantics=("parallel",)
        ),
    )(table_t, table_t)


def _sc_gather(half_idx, pairs):
    mesh = plsc.VectorSubcoreMesh(core_axis_name="c", subcore_axis_name="s")
    num_workers = mesh.num_cores * mesh.num_subcores
    b_per_w = BATCH // num_workers
    n_chunks = b_per_w // CHUNK

    @functools.partial(
        pl.kernel,
        mesh=mesh,
        out_type=jax.ShapeDtypeStruct((BATCH, PAIR_DIM), jnp.float32),
        scratch_types=[
            pltpu.VMEM((CHUNK,), jnp.int32),
            pltpu.VMEM((CHUNK, PAIR_DIM), jnp.float32),
            pltpu.SemaphoreType.DMA,
        ],
    )
    def gather_kernel(t_hbm, i_hbm, o_hbm, i_v, r_v, sem):
        wid = lax.axis_index("s") * mesh.num_cores + lax.axis_index("c")

        @pl.loop(0, n_chunks)
        def _(ci):
            base = wid * b_per_w + ci * CHUNK
            pltpu.sync_copy(i_hbm.at[pl.ds(base, CHUNK)], i_v)
            pltpu.async_copy(t_hbm.at[i_v], r_v, sem).wait()
            pltpu.sync_copy(r_v, o_hbm.at[pl.ds(base, CHUNK)])

    return gather_kernel(pairs, half_idx)


def _tc_mlp(user_rows, item_rows, user_par, item_par, W1, b1, W2, b2):
    block = 2048
    grid = BATCH // block

    def body(u_ref, i_ref, up_ref, ip_ref, w1_ref, b1_ref, w2_ref, b2_ref,
             o_ref):
        u = jnp.where(up_ref[...] > 0, u_ref[:, EMBED_DIM:], u_ref[:, :EMBED_DIM])
        i = jnp.where(ip_ref[...] > 0, i_ref[:, EMBED_DIM:], i_ref[:, :EMBED_DIM])
        c = u * i
        h = jnp.dot(c, w1_ref[...], preferred_element_type=jnp.float32)
        h = jnp.maximum(h + b1_ref[...], 0.0)
        o_ref[...] = (
            jnp.dot(h, w2_ref[...], preferred_element_type=jnp.float32)
            + b2_ref[...]
        )

    return pl.pallas_call(
        body,
        grid=(grid,),
        in_specs=[
            pl.BlockSpec((block, PAIR_DIM), lambda i: (i, 0)),
            pl.BlockSpec((block, PAIR_DIM), lambda i: (i, 0)),
            pl.BlockSpec((block, 1), lambda i: (i, 0)),
            pl.BlockSpec((block, 1), lambda i: (i, 0)),
            pl.BlockSpec((EMBED_DIM, EMBED_DIM), lambda i: (0, 0)),
            pl.BlockSpec((1, EMBED_DIM), lambda i: (0, 0)),
            pl.BlockSpec((EMBED_DIM, 1), lambda i: (0, 0)),
            pl.BlockSpec((1, 1), lambda i: (0, 0)),
        ],
        out_specs=pl.BlockSpec((block, 1), lambda i: (i, 0)),
        out_shape=jax.ShapeDtypeStruct((BATCH, 1), jnp.float32),
    )(user_rows, item_rows, user_par, item_par,
      W1, b1.reshape(1, EMBED_DIM), W2, b2.reshape(1, 1))


@jax.jit
def kernel(user_idx, item_idx, user_table, item_table, W1, b1, W2, b2):
    user_idx = user_idx.astype(jnp.int32)
    item_idx = item_idx.astype(jnp.int32)

    user_hi = jnp.where(user_idx >= HALF_ROWS, user_idx - HALF_ROWS, user_idx)
    item_hi = jnp.where(item_idx >= HALF_ROWS, item_idx - HALF_ROWS, item_idx)

    user_pairs = _tc_transpose_pack(user_table.T)
    user_rows = _sc_gather(user_hi, user_pairs)
    item_pairs = _tc_transpose_pack(item_table.T)
    item_rows = _sc_gather(item_hi, item_pairs)
    user_par = (user_idx >= HALF_ROWS).astype(jnp.int32).reshape(BATCH, 1)
    item_par = (item_idx >= HALF_ROWS).astype(jnp.int32).reshape(BATCH, 1)

    out = _tc_mlp(user_rows, item_rows, user_par, item_par, W1, b1, W2, b2)
    return out.squeeze(-1)

# --- scband reference (transcript-rebuilt; emitter-appended) ---
"""Pipeline reference for scband-simple-scoreformer-85813446574093 (READ-ONLY COPY).

The authoritative reference and input builder live on the scoring server;
editing this copy changes nothing except your own understanding.
"""

import jax, jax.numpy as jnp
import numpy as np

NUM_USERS = 1000000
NUM_ITEMS = 1000000
EMBED_DIM = 64
BATCH = 16384


def setup_inputs(seed: int = 0) -> dict:
    key = jax.random.key(seed)
    k1, k2, k3, k4, k5, k6, k7, k8 = jax.random.split(key, 8)
    user_idx = jax.random.randint(k1, (BATCH,), 0, NUM_USERS, dtype=jnp.int64 if jax.config.jax_enable_x64 else jnp.int32)
    item_idx = jax.random.randint(k2, (BATCH,), 0, NUM_ITEMS, dtype=jnp.int64 if jax.config.jax_enable_x64 else jnp.int32)
    user_table = jax.random.normal(k3, (NUM_USERS, EMBED_DIM), dtype=jnp.float32) * 0.01
    item_table = jax.random.normal(k4, (NUM_ITEMS, EMBED_DIM), dtype=jnp.float32) * 0.01
    # fc1: Linear(embedding_dim, embedding_dim); fc2: Linear(embedding_dim, 1)
    bound1 = 1.0 / np.sqrt(EMBED_DIM)
    W1 = jax.random.uniform(k5, (EMBED_DIM, EMBED_DIM), minval=-bound1, maxval=bound1, dtype=jnp.float32)
    b1 = jax.random.uniform(k6, (EMBED_DIM,), minval=-bound1, maxval=bound1, dtype=jnp.float32)
    W2 = jax.random.uniform(k7, (EMBED_DIM, 1), minval=-bound1, maxval=bound1, dtype=jnp.float32)
    b2 = jax.random.uniform(k8, (1,), minval=-bound1, maxval=bound1, dtype=jnp.float32)
    return {
        "user_idx": user_idx,
        "item_idx": item_idx,
        "user_table": user_table,
        "item_table": item_table,
        "W1": W1,
        "b1": b1,
        "W2": W2,
        "b2": b2,
    }


def reference(user_idx, item_idx, user_table, item_table, W1, b1, W2, b2):
    user_embedding = jnp.take(user_table, user_idx, axis=0)
    item_embedding = jnp.take(item_table, item_idx, axis=0)
    combined = user_embedding * item_embedding
    x = jax.nn.relu(combined @ W1 + b1)
    prediction = (x @ W2 + b2).squeeze(-1)
    return prediction

if __name__ == "__main__":
    import jax
    _d = setup_inputs()
    print(jax.jit(kernel)(*tuple(_d.values())))

</pallas_src>

<mosaic_0001>
#map = affine_map<(d0, d1) -> (0, 0)>
#map1 = affine_map<(d0, d1) -> (0)>
module attributes {stable_mosaic.version = 14 : i64} {
  func.func @gather_kernel(%arg0: i32, %arg1: i32, %arg2: memref<507904x128xf32, #tpu.memory_space<hbm>>, %arg3: memref<16384xi32, #tpu.memory_space<hbm>>, %arg4: memref<16384x128xf32, #tpu.memory_space<hbm>>, %arg5: memref<256xi32, #tpu.memory_space<vmem>>, %arg6: memref<256x128xf32, #tpu.memory_space<vmem>>, %arg7: memref<!tpu.dma_semaphore, #tpu.memory_space<semaphore_mem>>) attributes {dimension_semantics = [#tpu.dimension_semantics<core_parallel>, #tpu.dimension_semantics<subcore_parallel>], iteration_bounds = array<i64: 2, 16>, scalar_prefetch = 0 : i64, scratch_operands = 3 : i64, tpu.core_type = #tpu.core_type<sc_vector_subcore>, window_params = [{transform_indices = #map}, {transform_indices = #map1}, {transform_indices = #map}]} {
    %mul3A = arith.constant 2 : i32
    %mul3A_0 = arith.muli %arg1, %mul3A : i32
    %add3A = arith.addi %mul3A_0, %arg0 : i32
    %scan3A = arith.constant 0 : i32
    %scan3A_1 = arith.constant 2 : i32
    %scan3A_2 = arith.addi %scan3A, %scan3A_1 : i32
    %scan3A_3 = arith.constant 1 : i32
    scf.for %scan3A_5 = %scan3A to %scan3A_2 step %scan3A_3  : i32 {
      %mul3A_6 = arith.constant 1 : i32
      %mul3A_7 = arith.muli %scan3A_5, %mul3A_6 : i32
      %add3A_8 = arith.constant 0 : i32
      %add3A_9 = arith.addi %add3A_8, %mul3A_7 : i32
      %mul3A_10 = arith.constant 512 : i32
      %mul3A_11 = arith.muli %add3A, %mul3A_10 : i32
      %mul3A_12 = arith.constant 256 : i32
      %mul3A_13 = arith.muli %add3A_9, %mul3A_12 : i32
      %add3A_14 = arith.addi %mul3A_11, %mul3A_13 : i32
      "tpu.region"() ({
        %run_scoped3A = tpu.sem_alloc : memref<!tpu.dma_semaphore, #tpu.memory_space<semaphore_mem>>
        %dma_start3A_19 = tpu.memref_slice %arg3[%add3A_14] : memref<16384xi32, #tpu.memory_space<hbm>> -> memref<256xi32, #tpu.memory_space<hbm>>
        %dma_start3A_20 = tpu.memref_slice %arg3[%add3A_14] : memref<16384xi32, #tpu.memory_space<hbm>> -> memref<256xi32, #tpu.memory_space<hbm>>
        tpu.enqueue_dma source(%dma_start3A_20 : memref<256xi32, #tpu.memory_space<hbm>>) target(%arg5 : memref<256xi32, #tpu.memory_space<vmem>>) target_semaphore(%run_scoped3A : memref<!tpu.dma_semaphore, #tpu.memory_space<semaphore_mem>>)
        %dma_wait3A_21 = tpu.memref_slice %arg3[%add3A_14] : memref<16384xi32, #tpu.memory_space<hbm>> -> memref<256xi32, #tpu.memory_space<hbm>>
        %dma_wait3A_22 = tpu.memref_slice %arg3[%add3A_14] : memref<16384xi32, #tpu.memory_space<hbm>> -> memref<256xi32, #tpu.memory_space<hbm>>
        tpu.wait_dma2 semaphore(%run_scoped3A : memref<!tpu.dma_semaphore, #tpu.memory_space<semaphore_mem>>) src(%dma_wait3A_22 : memref<256xi32, #tpu.memory_space<hbm>>) dst(%arg5 : memref<256xi32, #tpu.memory_space<vmem>>)
        tpu.yield
      }) : () -> ()
      %dma_start3A = arith.constant 0 : i32
      %dma_start3A_15 = arith.constant 0 : i32
      %dma_start3A_16 = tpu.memref_slice %arg2[%dma_start3A, %dma_start3A_15] : memref<507904x128xf32, #tpu.memory_space<hbm>> -> memref<507904x128xf32, #tpu.memory_space<hbm>>
      tpu.enqueue_indirect_dma source(%dma_start3A_16 : memref<507904x128xf32, #tpu.memory_space<hbm>>) target(%arg6 : memref<256x128xf32, #tpu.memory_space<vmem>>) offsets(%arg5 : memref<256xi32, #tpu.memory_space<vmem>>) semaphore(%arg7 : memref<!tpu.dma_semaphore, #tpu.memory_space<semaphore_mem>>)
      %dma_wait3A = arith.constant 0 : i32
      %dma_wait3A_17 = arith.constant 0 : i32
      %dma_wait3A_18 = tpu.memref_slice %arg2[%dma_wait3A, %dma_wait3A_17] : memref<507904x128xf32, #tpu.memory_space<hbm>> -> memref<507904x128xf32, #tpu.memory_space<hbm>>
      tpu.wait_indirect_dma semaphore(%arg7 : memref<!tpu.dma_semaphore, #tpu.memory_space<semaphore_mem>>) src(%dma_wait3A_18 : memref<507904x128xf32, #tpu.memory_space<hbm>>) dst(%arg6 : memref<256x128xf32, #tpu.memory_space<vmem>>)
      "tpu.region"() ({
        %run_scoped3A = tpu.sem_alloc : memref<!tpu.dma_semaphore, #tpu.memory_space<semaphore_mem>>
        %dma_start3A_19 = arith.constant 0 : i32
        %dma_start3A_20 = tpu.memref_slice %arg4[%add3A_14, %dma_start3A_19] : memref<16384x128xf32, #tpu.memory_space<hbm>> -> memref<256x128xf32, #tpu.memory_space<hbm>>
        %dma_start3A_21 = arith.constant 0 : i32
        %dma_start3A_22 = tpu.memref_slice %arg4[%add3A_14, %dma_start3A_21] : memref<16384x128xf32, #tpu.memory_space<hbm>> -> memref<256x128xf32, #tpu.memory_space<hbm>>
        tpu.enqueue_dma source(%arg6 : memref<256x128xf32, #tpu.memory_space<vmem>>) target(%dma_start3A_22 : memref<256x128xf32, #tpu.memory_space<hbm>>) target_semaphore(%run_scoped3A : memref<!tpu.dma_semaphore, #tpu.memory_space<semaphore_mem>>)
        %dma_wait3A_23 = arith.constant 0 : i32
        %dma_wait3A_24 = tpu.memref_slice %arg4[%add3A_14, %dma_wait3A_23] : memref<16384x128xf32, #tpu.memory_space<hbm>> -> memref<256x128xf32, #tpu.memory_space<hbm>>
        %dma_wait3A_25 = arith.constant 0 : i32
        %dma_wait3A_26 = tpu.memref_slice %arg4[%add3A_14, %dma_wait3A_25] : memref<16384x128xf32, #tpu.memory_space<hbm>> -> memref<256x128xf32, #tpu.memory_space<hbm>>
        tpu.wait_dma2 semaphore(%run_scoped3A : memref<!tpu.dma_semaphore, #tpu.memory_space<semaphore_mem>>) src(%arg6 : memref<256x128xf32, #tpu.memory_space<vmem>>) dst(%dma_wait3A_26 : memref<256x128xf32, #tpu.memory_space<hbm>>)
        tpu.yield
      }) : () -> ()
    }
    %scan3A_4 = arith.constant 2 : i32
    return
  }
}

#map = affine_map<(d0, d1) -> (0, 0)>
#map1 = affine_map<(d0, d1) -> (0)>
module attributes {stable_mosaic.version = 14 : i64} {
  func.func @gather_kernel(%arg0: i32, %arg1: i32, %arg2: memref<507904x128xf32, #tpu.memory_space<hbm>>, %arg3: memref<16384xi32, #tpu.memory_space<hbm>>, %arg4: memref<16384x128xf32, #tpu.memory_space<hbm>>, %arg5: memref<256xi32, #tpu.memory_space<vmem>>, %arg6: memref<256x128xf32, #tpu.memory_space<vmem>>, %arg7: memref<!tpu.dma_semaphore, #tpu.memory_space<semaphore_mem>>) attributes {dimension_semantics = [#tpu.dimension_semantics<core_parallel>, #tpu.dimension_semantics<subcore_parallel>], iteration_bounds = array<i64: 2, 16>, scalar_prefetch = 0 : i64, scratch_operands = 3 : i64, tpu.core_type = #tpu.core_type<sc_vector_subcore>, window_params = [{transform_indices = #map}, {transform_indices = #map1}, {transform_indices = #map}]} {
    %mul3A = arith.constant 2 : i32
    %mul3A_0 = arith.muli %arg1, %mul3A : i32
    %add3A = arith.addi %mul3A_0, %arg0 : i32
    %scan3A = arith.constant 0 : i32
    %scan3A_1 = arith.constant 2 : i32
    %scan3A_2 = arith.addi %scan3A, %scan3A_1 : i32
    %scan3A_3 = arith.constant 1 : i32
    scf.for %scan3A_5 = %scan3A to %scan3A_2 step %scan3A_3  : i32 {
      %mul3A_6 = arith.constant 1 : i32
      %mul3A_7 = arith.muli %scan3A_5, %mul3A_6 : i32
      %add3A_8 = arith.constant 0 : i32
      %add3A_9 = arith.addi %add3A_8, %mul3A_7 : i32
      %mul3A_10 = arith.constant 512 : i32
      %mul3A_11 = arith.muli %add3A, %mul3A_10 : i32
      %mul3A_12 = arith.constant 256 : i32
      %mul3A_13 = arith.muli %add3A_9, %mul3A_12 : i32
      %add3A_14 = arith.addi %mul3A_11, %mul3A_13 : i32
      "tpu.region"() ({
        %run_scoped3A = tpu.sem_alloc : memref<!tpu.dma_semaphore, #tpu.memory_space<semaphore_mem>>
        %dma_start3A_19 = tpu.memref_slice %arg3[%add3A_14] : memref<16384xi32, #tpu.memory_space<hbm>> -> memref<256xi32, #tpu.memory_space<hbm>>
        %dma_start3A_20 = tpu.memref_slice %arg3[%add3A_14] : memref<16384xi32, #tpu.memory_space<hbm>> -> memref<256xi32, #tpu.memory_space<hbm>>
        tpu.enqueue_dma source(%dma_start3A_20 : memref<256xi32, #tpu.memory_space<hbm>>) target(%arg5 : memref<256xi32, #tpu.memory_space<vmem>>) target_semaphore(%run_scoped3A : memref<!tpu.dma_semaphore, #tpu.memory_space<semaphore_mem>>)
        %dma_wait3A_21 = tpu.memref_slice %arg3[%add3A_14] : memref<16384xi32, #tpu.memory_space<hbm>> -> memref<256xi32, #tpu.memory_space<hbm>>
        %dma_wait3A_22 = tpu.memref_slice %arg3[%add3A_14] : memref<16384xi32, #tpu.memory_space<hbm>> -> memref<256xi32, #tpu.memory_space<hbm>>
        tpu.wait_dma2 semaphore(%run_scoped3A : memref<!tpu.dma_semaphore, #tpu.memory_space<semaphore_mem>>) src(%dma_wait3A_22 : memref<256xi32, #tpu.memory_space<hbm>>) dst(%arg5 : memref<256xi32, #tpu.memory_space<vmem>>)
        tpu.yield
      }) : () -> ()
      %dma_start3A = arith.constant 0 : i32
      %dma_start3A_15 = arith.constant 0 : i32
      %dma_start3A_16 = tpu.memref_slice %arg2[%dma_start3A, %dma_start3A_15] : memref<507904x128xf32, #tpu.memory_space<hbm>> -> memref<507904x128xf32, #tpu.memory_space<hbm>>
      tpu.enqueue_indirect_dma source(%dma_start3A_16 : memref<507904x128xf32, #tpu.memory_space<hbm>>) target(%arg6 : memref<256x128xf32, #tpu.memory_space<vmem>>) offsets(%arg5 : memref<256xi32, #tpu.memory_space<vmem>>) semaphore(%arg7 : memref<!tpu.dma_semaphore, #tpu.memory_space<semaphore_mem>>)
      %dma_wait3A = arith.constant 0 : i32
      %dma_wait3A_17 = arith.constant 0 : i32
      %dma_wait3A_18 = tpu.memref_slice %arg2[%dma_wait3A, %dma_wait3A_17] : memref<507904x128xf32, #tpu.memory_space<hbm>> -> memref<507904x128xf32, #tpu.memory_space<hbm>>
      tpu.wait_indirect_dma semaphore(%arg7 : memref<!tpu.dma_semaphore, #tpu.memory_space<semaphore_mem>>) src(%dma_wait3A_18 : memref<507904x128xf32, #tpu.memory_space<hbm>>) dst(%arg6 : memref<256x128xf32, #tpu.memory_space<vmem>>)
      "tpu.region"() ({
        %run_scoped3A = tpu.sem_alloc : memref<!tpu.dma_semaphore, #tpu.memory_space<semaphore_mem>>
        %dma_start3A_19 = arith.constant 0 : i32
        %dma_start3A_20 = tpu.memref_slice %arg4[%add3A_14, %dma_start3A_19] : memref<16384x128xf32, #tpu.memory_space<hbm>> -> memref<256x128xf32, #tpu.memory_space<hbm>>
        %dma_start3A_21 = arith.constant 0 : i32
        %dma_start3A_22 = tpu.memref_slice %arg4[%add3A_14, %dma_start3A_21] : memref<16384x128xf32, #tpu.memory_space<hbm>> -> memref<256x128xf32, #tpu.memory_space<hbm>>
        tpu.enqueue_dma source(%arg6 : memref<256x128xf32, #tpu.memory_space<vmem>>) target(%dma_start3A_22 : memref<256x128xf32, #tpu.memory_space<hbm>>) target_semaphore(%run_scoped3A : memref<!tpu.dma_semaphore, #tpu.memory_space<semaphore_mem>>)
        %dma_wait3A_23 = arith.constant 0 : i32
        %dma_wait3A_24 = tpu.memref_slice %arg4[%add3A_14, %dma_wait3A_23] : memref<16384x128xf32, #tpu.memory_space<hbm>> -> memref<256x128xf32, #tpu.memory_space<hbm>>
        %dma_wait3A_25 = arith.constant 0 : i32
        %dma_wait3A_26 = tpu.memref_slice %arg4[%add3A_14, %dma_wait3A_25] : memref<16384x128xf32, #tpu.memory_space<hbm>> -> memref<256x128xf32, #tpu.memory_space<hbm>>
        tpu.wait_dma2 semaphore(%run_scoped3A : memref<!tpu.dma_semaphore, #tpu.memory_space<semaphore_mem>>) src(%arg6 : memref<256x128xf32, #tpu.memory_space<vmem>>) dst(%dma_wait3A_26 : memref<256x128xf32, #tpu.memory_space<hbm>>)
        tpu.yield
      }) : () -> ()
    }
    %scan3A_4 = arith.constant 2 : i32
    return
  }
}

module attributes {stable_mosaic.version = 14 : i64} {
  func.func @body(%arg0: i32, %arg1: memref<2048x128xf32, #tpu.memory_space<vmem>>, %arg2: memref<2048x128xf32, #tpu.memory_space<vmem>>, %arg3: memref<2048x1xi32, #tpu.memory_space<vmem>>, %arg4: memref<2048x1xi32, #tpu.memory_space<vmem>>, %arg5: memref<64x64xf32, #tpu.memory_space<vmem>>, %arg6: memref<1x64xf32, #tpu.memory_space<vmem>>, %arg7: memref<64x1xf32, #tpu.memory_space<vmem>>, %arg8: memref<1x1xf32, #tpu.memory_space<vmem>>, %arg9: memref<2048x1xf32, #tpu.memory_space<vmem>>) attributes {dimension_semantics = [#tpu.dimension_semantics<arbitrary>], iteration_bounds = array<i64: 8>, scalar_prefetch = 0 : i64, scratch_operands = 0 : i64, tpu.core_type = #tpu.core_type<tc>, window_params = [{transform_indices = @transform_0, window_bounds = array<i64: 2048, 128>}, {transform_indices = @transform_1, window_bounds = array<i64: 2048, 128>}, {transform_indices = @transform_2, window_bounds = array<i64: 2048, 1>}, {transform_indices = @transform_3, window_bounds = array<i64: 2048, 1>}, {pipeline_mode = #tpu.pipeline_mode<synchronous>, transform_indices = @transform_4, window_bounds = array<i64: 64, 64>}, {pipeline_mode = #tpu.pipeline_mode<synchronous>, transform_indices = @transform_5, window_bounds = array<i64: 1, 64>}, {pipeline_mode = #tpu.pipeline_mode<synchronous>, transform_indices = @transform_6, window_bounds = array<i64: 64, 1>}, {pipeline_mode = #tpu.pipeline_mode<synchronous>, transform_indices = @transform_7, window_bounds = array<i64: 1, 1>}, {transform_indices = @transform_8, window_bounds = array<i64: 2048, 1>}]} {
    %get3A = arith.constant 0 : index
    %get3A_0 = arith.constant 0 : index
    %get3A_1 = vector.load %arg3[%get3A, %get3A_0] : memref<2048x1xi32, #tpu.memory_space<vmem>>, vector<2048x1xi32>
    %gt3A = arith.constant 0 : i32
    %gt3A_2 = vector.broadcast %gt3A : i32 to vector<2048x1xi32>
    %gt3A_3 = arith.cmpi sgt, %get3A_1, %gt3A_2 : vector<2048x1xi32>
    %get3A_4 = arith.constant 0 : index
    %get3A_5 = arith.constant 64 : index
    %get3A_6 = vector.load %arg1[%get3A_4, %get3A_5] : memref<2048x128xf32, #tpu.memory_space<vmem>>, vector<2048x64xf32>
    %get3A_7 = arith.constant 0 : index
    %get3A_8 = arith.constant 0 : index
    %get3A_9 = vector.load %arg1[%get3A_7, %get3A_8] : memref<2048x128xf32, #tpu.memory_space<vmem>>, vector<2048x64xf32>
    %broadcast_in_dim3A = vector.shape_cast %gt3A_3 : vector<2048x1xi1> to vector<2048x1xi1>
    %broadcast_in_dim3A_10 = vector.broadcast %broadcast_in_dim3A : vector<2048x1xi1> to vector<2048x64xi1>
    %select_n3A = arith.select %broadcast_in_dim3A_10, %get3A_6, %get3A_9 : vector<2048x64xi1>, vector<2048x64xf32>
    %get3A_11 = arith.constant 0 : index
    %get3A_12 = arith.constant 0 : index
    %get3A_13 = vector.load %arg4[%get3A_11, %get3A_12] : memref<2048x1xi32, #tpu.memory_space<vmem>>, vector<2048x1xi32>
    %gt3A_14 = arith.constant 0 : i32
    %gt3A_15 = vector.broadcast %gt3A_14 : i32 to vector<2048x1xi32>
    %gt3A_16 = arith.cmpi sgt, %get3A_13, %gt3A_15 : vector<2048x1xi32>
    %get3A_17 = arith.constant 0 : index
    %get3A_18 = arith.constant 64 : index
    %get3A_19 = vector.load %arg2[%get3A_17, %get3A_18] : memref<2048x128xf32, #tpu.memory_space<vmem>>, vector<2048x64xf32>
    %get3A_20 = arith.constant 0 : index
    %get3A_21 = arith.constant 0 : index
    %get3A_22 = vector.load %arg2[%get3A_20, %get3A_21] : memref<2048x128xf32, #tpu.memory_space<vmem>>, vector<2048x64xf32>
    %broadcast_in_dim3A_23 = vector.shape_cast %gt3A_16 : vector<2048x1xi1> to vector<2048x1xi1>
    %broadcast_in_dim3A_24 = vector.broadcast %broadcast_in_dim3A_23 : vector<2048x1xi1> to vector<2048x64xi1>
    %select_n3A_25 = arith.select %broadcast_in_dim3A_24, %get3A_19, %get3A_22 : vector<2048x64xi1>, vector<2048x64xf32>
    %mul3A = arith.mulf %select_n3A, %select_n3A_25 : vector<2048x64xf32>
    %get3A_26 = arith.constant 0 : index
    %get3A_27 = arith.constant 0 : index
    %get3A_28 = vector.load %arg5[%get3A_26, %get3A_27] : memref<64x64xf32, #tpu.memory_space<vmem>>, vector<64x64xf32>
    %dot_general3A = arith.constant dense<0.000000e+00> : vector<2048x64xf32>
    %dot_general3A_29 = tpu.matmul %mul3A, %get3A_28, %dot_general3A {dimension_numbers = #tpu.dot_dimension_numbers<[1], [0], [0], [1], [0, 0, 1, 1], [], []>, transpose_lhs_hint = false} : vector<2048x64xf32>, vector<64x64xf32>, vector<2048x64xf32> -> vector<2048x64xf32>
    %get3A_30 = arith.constant 0 : index
    %get3A_31 = arith.constant 0 : index
    %get3A_32 = vector.load %arg6[%get3A_30, %get3A_31] : memref<1x64xf32, #tpu.memory_space<vmem>>, vector<1x64xf32>
    %add3A = vector.broadcast %get3A_32 : vector<1x64xf32> to vector<2048x64xf32>
    %add3A_33 = arith.addf %dot_general3A_29, %add3A : vector<2048x64xf32>
    %max3A = arith.constant 0.000000e+00 : f32
    %max3A_34 = vector.broadcast %max3A : f32 to vector<2048x64xf32>
    %max3A_35 = arith.maximumf %add3A_33, %max3A_34 : vector<2048x64xf32>
    %get3A_36 = arith.constant 0 : index
    %get3A_37 = arith.constant 0 : index
    %get3A_38 = vector.load %arg7[%get3A_36, %get3A_37] : memref<64x1xf32, #tpu.memory_space<vmem>>, vector<64x1xf32>
    %dot_general3A_39 = arith.constant dense<0.000000e+00> : vector<2048x1xf32>
    %dot_general3A_40 = tpu.matmul %max3A_35, %get3A_38, %dot_general3A_39 {dimension_numbers = #tpu.dot_dimension_numbers<[1], [0], [0], [1], [0, 0, 1, 1], [], []>, transpose_lhs_hint = false} : vector<2048x64xf32>, vector<64x1xf32>, vector<2048x1xf32> -> vector<2048x1xf32>
    %get3A_41 = arith.constant 0 : index
    %get3A_42 = arith.constant 0 : index
    %get3A_43 = vector.load %arg8[%get3A_41, %get3A_42] : memref<1x1xf32, #tpu.memory_space<vmem>>, vector<1x1xf32>
    %add3A_44 = vector.broadcast %get3A_43 : vector<1x1xf32> to vector<2048x1xf32>
    %add3A_45 = arith.addf %dot_general3A_40, %add3A_44 : vector<2048x1xf32>
    %swap3A = arith.constant 0 : index
    %swap3A_46 = arith.constant 0 : index
    %swap3A_47 = vector.load %arg9[%swap3A, %swap3A_46] : memref<2048x1xf32, #tpu.memory_space<vmem>>, vector<2048x1xf32>
    tpu.vector_store %arg9[%swap3A, %swap3A_46], %add3A_45 {strides = array<i32>} : memref<2048x1xf32, #tpu.memory_space<vmem>>, vector<2048x1xf32>,
    return
  }
  func.func @transform_0(%arg0: i32) -> (i32, i32) {
    %c0_i32 = arith.constant 0 : i32
    %c0_i32_0 = arith.constant 0 : i32
    return %arg0, %c0_i32 : i32, i32
  }
  func.func @transform_1(%arg0: i32) -> (i32, i32) {
    %c0_i32 = arith.constant 0 : i32
    %c0_i32_0 = arith.constant 0 : i32
    return %arg0, %c0_i32 : i32, i32
  }
  func.func @transform_2(%arg0: i32) -> (i32, i32) {
    %c0_i32 = arith.constant 0 : i32
    %c0_i32_0 = arith.constant 0 : i32
    return %arg0, %c0_i32 : i32, i32
  }
  func.func @transform_3(%arg0: i32) -> (i32, i32) {
    %c0_i32 = arith.constant 0 : i32
    %c0_i32_0 = arith.constant 0 : i32
    return %arg0, %c0_i32 : i32, i32
  }
  func.func @transform_4(%arg0: i32) -> (i32, i32) {
    %c0_i32 = arith.constant 0 : i32
    %c0_i32_0 = arith.constant 0 : i32
    %c0_i32_1 = arith.constant 0 : i32
    return %c0_i32, %c0_i32_0 : i32, i32
  }
  func.func @transform_5(%arg0: i32) -> (i32, i32) {
    %c0_i32 = arith.constant 0 : i32
    %c0_i32_0 = arith.constant 0 : i32
    %c0_i32_1 = arith.constant 0 : i32
    return %c0_i32, %c0_i32_0 : i32, i32
  }
  func.func @transform_6(%arg0: i32) -> (i32, i32) {
    %c0_i32 = arith.constant 0 : i32
    %c0_i32_0 = arith.constant 0 : i32
    %c0_i32_1 = arith.constant 0 : i32
    return %c0_i32, %c0_i32_0 : i32, i32
  }
  func.func @transform_7(%arg0: i32) -> (i32, i32) {
    %c0_i32 = arith.constant 0 : i32
    %c0_i32_0 = arith.constant 0 : i32
    %c0_i32_1 = arith.constant 0 : i32
    return %c0_i32, %c0_i32_0 : i32, i32
  }
  func.func @transform_8(%arg0: i32) -> (i32, i32) {
    %c0_i32 = arith.constant 0 : i32
    %c0_i32_0 = arith.constant 0 : i32
    return %arg0, %c0_i32 : i32, i32
  }
}

module attributes {stable_mosaic.version = 14 : i64} {
  func.func @body(%arg0: i32, %arg1: memref<64x8192xf32, #tpu.memory_space<vmem>>, %arg2: memref<64x8192xf32, #tpu.memory_space<vmem>>, %arg3: memref<8192x128xf32, #tpu.memory_space<vmem>>) attributes {dimension_semantics = [#tpu.dimension_semantics<parallel>], iteration_bounds = array<i64: 62>, scalar_prefetch = 0 : i64, scratch_operands = 0 : i64, tpu.core_type = #tpu.core_type<tc>, window_params = [{transform_indices = @transform_0, window_bounds = array<i64: 64, 8192>}, {transform_indices = @transform_1, window_bounds = array<i64: 64, 8192>}, {transform_indices = @transform_2, window_bounds = array<i64: 8192, 128>}]} {
    %iota3A = tpu.iota {dimensions = array<i32: 0>} : vector<64x64xi32>
    %iota3A_0 = tpu.iota {dimensions = array<i32: 1>} : vector<64x64xi32>
    %eq3A = arith.cmpi eq, %iota3A, %iota3A_0 : vector<64x64xi32>
    %convert_element_type3A = arith.extui %eq3A : vector<64x64xi1> to vector<64x64xi32>
    %convert_element_type3A_1 = arith.sitofp %convert_element_type3A : vector<64x64xi32> to vector<64x64xf32>
    %convert_element_type3A_2 = arith.truncf %convert_element_type3A_1 : vector<64x64xf32> to vector<64x64xbf16>
    %get3A = arith.constant 0 : index
    %get3A_3 = arith.constant 0 : index
    %get3A_4 = vector.load %arg1[%get3A, %get3A_3] : memref<64x8192xf32, #tpu.memory_space<vmem>>, vector<64x8192xf32>
    %convert_element_type3A_5 = arith.truncf %get3A_4 : vector<64x8192xf32> to vector<64x8192xbf16>
    %get3A_6 = arith.constant 0 : index
    %get3A_7 = arith.constant 0 : index
    %get3A_8 = vector.load %arg2[%get3A_6, %get3A_7] : memref<64x8192xf32, #tpu.memory_space<vmem>>, vector<64x8192xf32>
    %convert_element_type3A_9 = arith.truncf %get3A_8 : vector<64x8192xf32> to vector<64x8192xbf16>
    %dot_general3A = arith.constant dense<0.000000e+00> : vector<8192x64xf32>
    %dot_general3A_10 = tpu.matmul %convert_element_type3A_5, %convert_element_type3A_2, %dot_general3A {dimension_numbers = #tpu.dot_dimension_numbers<[0], [0], [1], [1], [0, 1, 1, 1], [], []>, transpose_lhs_hint = false} : vector<64x8192xbf16>, vector<64x64xbf16>, vector<8192x64xf32> -> vector<8192x64xf32>
    %dot_general3A_11 = arith.constant dense<0.000000e+00> : vector<8192x64xf32>
    %dot_general3A_12 = tpu.matmul %convert_element_type3A_9, %convert_element_type3A_2, %dot_general3A_11 {dimension_numbers = #tpu.dot_dimension_numbers<[0], [0], [1], [1], [0, 1, 1, 1], [], []>, transpose_lhs_hint = false} : vector<64x8192xbf16>, vector<64x64xbf16>, vector<8192x64xf32> -> vector<8192x64xf32>
    %concatenate3A = tpu.concatenate %dot_general3A_10, %dot_general3A_12 in 1 : vector<8192x64xf32>, vector<8192x64xf32> -> vector<8192x128xf32>
    %swap3A = arith.constant 0 : index
    %swap3A_13 = arith.constant 0 : index
    %swap3A_14 = vector.load %arg3[%swap3A, %swap3A_13] : memref<8192x128xf32, #tpu.memory_space<vmem>>, vector<8192x128xf32>
    tpu.vector_store %arg3[%swap3A, %swap3A_13], %concatenate3A {strides = array<i32>} : memref<8192x128xf32, #tpu.memory_space<vmem>>, vector<8192x128xf32>,
    return
  }
  func.func @transform_0(%arg0: i32) -> (i32, i32) {
    %c0_i32 = arith.constant 0 : i32
    %c0_i32_0 = arith.constant 0 : i32
    return %c0_i32, %arg0 : i32, i32
  }
  func.func @transform_1(%arg0: i32) -> (i32, i32) {
    %add3A = arith.constant 62 : i32
    %add3A_0 = arith.addi %add3A, %arg0 : i32
    %min3A = arith.constant 122 : i32
    %min3A_1 = arith.minsi %add3A_0, %min3A : i32
    %c0_i32 = arith.constant 0 : i32
    %c0_i32_2 = arith.constant 0 : i32
    return %c0_i32, %min3A_1 : i32, i32
  }
  func.func @transform_2(%arg0: i32) -> (i32, i32) {
    %c0_i32 = arith.constant 0 : i32
    %c0_i32_0 = arith.constant 0 : i32
    return %arg0, %c0_i32 : i32, i32
  }
}

</mosaic_0001>

<sc_bundles>
// kernel: kernel.10.cloned.1.call-start
scs
__scs_entry_jumppad:
0x0: {  	(pc) =	sbr.rel $0x88, $3  }
0x1: {  	(tag) =	ssettag $0x0;
	lr =	simm.s32 $0x1  }
0x2: {  	[smem:$0x3F99] =	sst lr;
	_ =	strace $0xD0000000  }
0x3: {  	_ = 	snop  }
0x4: {  	_ = 	snop  }
0x5: {  	_ = 	snop  }
0x6: {  	_ = 	snop  }
0x7: {  	_ = 	snop  }
__scs_overlays_trampoline_lowered:
0x8: {  	[smem:$0x3FA8] =	sst s0  }
0x9: {  	[smem:$0x3FA9] =	sst s1  }
0xa: {  	[smem:$0x3FAA] =	sst s2  }
0xb: {  	[smem:$0x3FAB] =	sst s3  }
0xc: {  	[smem:$0x3FAC] =	sst s4  }
0xd: {  	[smem:$0x3FAD] =	sst s5  }
0xe: {  	[smem:$0x3FAE] =	sst s6  }
0xf: {  	[smem:$0x3FAF] =	sst s7  }
0x10: {  	[smem:$0x3FB0] =	sst s8  }
0x11: {  	[smem:$0x3FB1] =	sst s9;
	s0 =	simm.s32 @!p0 $0x0  }
0x12: {  	s1 =	sld [smem:$0x3F97];
	s0 =	simm.s32 @p0 $0x1  }
0x13: {  	[smem:$0x3FB2] =	sst s0;
	s0 =	simm.s32 @!p1 $0x0  }
0x14: {  	s2 =	sld [smem:$0x3F96];
	s0 =	simm.s32 @p1 $0x1  }
0x15: {  	[smem:$0x3FB3] =	sst s0;
	s0 =	simm.s32 @!p2 $0x0  }
0x16: {  	s3 =	sld [smem:$0x3FDB];
	s0 =	simm.s32 @p2 $0x1  }
0x17: {  	s4 =	simm.s32 $0x1BF5;
	[smem:$0x3FB5] =	sst s0  }
0x18: {  	s0 =	sld [smem:$0x3F98];
	_ =	swait.ge [sflag:s4], $0x0  }
0x19: {  	s7 =	sld [smem:$0x3F99]  }
0x1a: {  	s8 =	sadd.s32 $0xFFFFE003, lr  }
0x1b: {  	s9 =	sadd.s32 $0xFFFFFEF7, lr;
	s5 =	simm.s32 $0xFFFFFFFF;
	p2 =	slt.u32 s8, $0xFFFFF086  }
0x1c: {  	p1 =	slt.u32 s9, $0xF7A;
	s5 =	simm.s32 @!p2 $0x0  }
0x1d: {  	s5 =	simm.s32 @p1 $0x1;
	p0 =	seq.s32 s7, s2  }
0x1e: {  	s7 =	smul.u32 @!p0 $0xF7A, s2;
	p2 =	seq.s32 @!p0 s5, $0x0  }
0x1f: {  	s9 =	smul.u32 $0xF7A, s1;
	s8 =	simm.s32 @!p0 $0x1BF5;
	p2 =	por !p2, p0  }
0x20: {  	[sflag:s8] =	ssyncset.s32 @!p0 $0xFFFFF086;
	s6 =	sadd.s32 @!p0 s3, s7;
	s7 =	simm.s32 @!p0 $0x108  }
0x21: {  	s3 =	sadd.s32 s3, s9;
	s6 =	sadd.s32 @!p0 $0x88, s6;
	s7 =	simm.s32 @p2 $0x1082  }
0x22: {  	[simem:s7], [sflag:s8] =	dma.local @!p0 [hbm:s6], $0xF7A  }
0x23: {  	s9 =	sor.u32 $0xD0000000, s2;
	s6 =	simm.s32 $0x108;
	_ =	swait.ge @!p0 [sflag:s8], $0x0  }
0x24: {  	s3 =	sadd.s32 $0x88, s3;
	s6 =	simm.s32 @!p1 $0x1082;
	[sflag:s4] =	ssyncset.s32 $0xFFFFF086  }
0x25: {  	[simem:s6], [sflag:s4] =	dma.local [hbm:s3], $0xF7A  }
0x26: {  	[smem:$0x3F99] =	sst s1;
	(tag) =	ssettag s2;
	_ =	strace s9  }
0x27: {  	s1 =	sld [smem:$0x3FA9]  }
0x28: {  	s2 =	sld [smem:$0x3FAA]  }
0x29: {  	s4 =	sld [smem:$0x3FAC]  }
0x2a: {  	p0 =	seq.s32 s5, $0x0;
	s5 =	sld [smem:$0x3FAD]  }
0x2b: {  	s6 =	sld [smem:$0x3FAE]  }
0x2c: {  	s7 =	sld [smem:$0x3FAF]  }
0x2d: {  	s3 =	simm.s32 $0x108;
	s8 =	sld [smem:$0x3FB0]  }
0x2e: {  	s3 =	simm.s32 @!p0 $0x1082;
	s9 =	sld [smem:$0x3FB1]  }
0x2f: {  	lr =	sadd.s32 s0, s3;
	s0 =	sld [smem:$0x3FA8]  }
0x30: {  	s3 =	sld [smem:$0x3FAB]  }
0x31: {  	[smem:$0x3FB4] =	sst s10  }
0x32: {  	s10 =	sld [smem:$0x3FB2];
	_ =	sdelay $0x3  }
0x33: {  	p0 =	seq.s32 s10, $0x1;
	s10 =	sld [smem:$0x3FB4];
	_ =	sdelay $0x3  }
0x34: {  	[smem:$0x3FB4] =	sst s10  }
0x35: {  	s10 =	sld [smem:$0x3FB3];
	_ =	sdelay $0x3  }
0x36: {  	p1 =	seq.s32 s10, $0x1;
	s10 =	sld [smem:$0x3FB4];
	_ =	sdelay $0x3  }
0x37: {  	[smem:$0x3FB4] =	sst s10  }
0x38: {  	s10 =	sld [smem:$0x3FB5]  }
0x39: {  	_ = 	snop;
	(pc) =	sbr.ind lr, $3  }
0x3a: {  	_ = 	snop  }
0x3b: {  	_ = 	snop  }
0x3c: {  	p2 =	seq.s32 s10, $0x1;
	s10 =	sld [smem:$0x3FB4]  }
0x3d: {  	_ =	shalt  }
0x3e: {  	_ =	shalt  }
0x3f: {  	_ =	shalt  }
0x40: {  	_ =	shalt  }
0x41: {  	_ =	shalt  }
0x42: {  	_ =	shalt  }
0x43: {  	_ =	shalt  }
0x44: {  	_ =	shalt  }
0x45: {  	_ =	shalt  }
0x46: {  	_ =	shalt  }
0x47: {  	_ =	shalt  }
0x48: {  	_ =	shalt  }
0x49: {  	_ =	shalt  }
0x4a: {  	_ =	shalt  }
0x4b: {  	_ =	shalt  }
0x4c: {  	_ =	shalt  }
0x4d: {  	_ =	shalt  }
0x4e: {  	_ =	shalt  }
0x4f: {  	_ =	shalt  }
0x50: {  	_ =	shalt  }
0x51: {  	_ =	shalt  }
0x52: {  	_ =	shalt  }
0x53: {  	_ =	shalt  }
0x54: {  	_ =	shalt  }
0x55: {  	_ =	shalt  }
0x56: {  	_ =	shalt  }
0x57: {  	_ =	shalt  }
0x58: {  	_ =	shalt  }
0x59: {  	_ =	shalt  }
0x5a: {  	_ =	shalt  }
0x5b: {  	_ =	shalt  }
0x5c: {  	_ =	shalt  }
0x5d: {  	_ =	shalt  }
0x5e: {  	_ =	shalt  }
0x5f: {  	_ =	shalt  }
0x60: {  	_ =	shalt  }
0x61: {  	_ =	shalt  }
0x62: {  	_ =	shalt  }
0x63: {  	_ =	shalt  }
0x64: {  	_ =	shalt  }
0x65: {  	_ =	shalt  }
0x66: {  	_ =	shalt  }
0x67: {  	_ =	shalt  }
0x68: {  	_ =	shalt  }
0x69: {  	_ =	shalt  }
0x6a: {  	_ =	shalt  }
0x6b: {  	_ =	shalt  }
0x6c: {  	_ =	shalt  }
0x6d: {  	_ =	shalt  }
0x6e: {  	_ =	shalt  }
0x6f: {  	_ =	shalt  }
0x70: {  	_ =	shalt  }
0x71: {  	_ =	shalt  }
0x72: {  	_ =	shalt  }
0x73: {  	_ =	shalt  }
0x74: {  	_ =	shalt  }
0x75: {  	_ =	shalt  }
0x76: {  	_ =	shalt  }
0x77: {  	_ =	shalt  }
0x78: {  	_ =	shalt  }
0x79: {  	_ =	shalt  }
0x7a: {  	_ =	shalt  }
0x7b: {  	_ =	shalt  }
0x7c: {  	_ =	shalt  }
0x7d: {  	_ =	shalt  }
0x7e: {  	_ =	shalt  }
0x7f: {  	_ =	shalt  }
0x80: {  	_ =	shalt  }
0x81: {  	_ =	shalt  }
0x82: {  	_ =	shalt  }
0x83: {  	_ =	shalt  }
0x84: {  	_ =	shalt  }
0x85: {  	_ =	shalt  }
0x86: {  	_ =	shalt  }
0x87: {  	_ =	shalt  }
.Lfunc_end0:
.L_simem_size_0:
called_computation.1_lowered:
.L_overlay_start_0:
0x88: {  	s2 =	sld [smem:$0x3FD9]  }
0x89: {  	s3 =	sld [smem:$0x3FFE];
	_ =	sdelay $0x1  }
0x8a: {  	s1 =	srdreg.scid  }
0x8b: {  	s0 =	sand.u32 $0x1, s1  }
0x8c: {  	s16 =	sshll.u32 s0, $0xA;
	s2 =	sadd.s32 s3, s2  }
0x8d: {  	s2 =	sadd.s32 s2, s16  }
0x8e: {  	[smem:$0x3FC0] =	sst s2  }
0x8f: {  	_ = 	snop  }
0x90: {  	(tm) =	ssettm $0x1  }
0x91: {  	s17 =	sld [smem:$0x3FFB];
	_ =	sdelay $0x3  }
0x92: {  	_ =	strace s17  }
0x93: {  	s2 =	sld [smem:$0x3FFC];
	_ =	sdelay $0x3  }
0x94: {  	_ =	strace s2  }
0x95: {  	s2 =	sld [smem:$0x3FFD];
	_ =	sdelay $0x3  }
0x96: {  	_ =	strace s2  }
0x97: {  	_ =	strace $0x8FFFFFFF  }
0x98: {  	s18 =	sld [smem:$0x3FDB];
	_ =	sdelay $0x1  }
0x99: {  	s19 =	simm.s32 $_scs_section_size  }
0x9a: {  	s4 =	simm.s32 $_size__tile_overlayer_lowered;
	s5 =	simm.s32 $_tile_overlayer_lowered  }
0x9b: {  	s22 =	simm.s32 $0x1BFF;
	s21 =	sshll.u32 s5, $0x1;
	s2 =	sadd.s32 s19, s18  }
0x9c: {  	s6 =	simm.s32 $0x0;
	s20 =	sshll.u32 s4, $0x1;
	s4 =	sadd.s32 s21, s2  }
0x9d: {  	[timem:s6], [sflag:s22] =	dma.local [hbm:s4], s20  }
0x9e: {  	_ =	swait.ge [sflag:s22], s20  }
0x9f: {  	s3 =	ssub.s32 $0x0, s20;
	[sflag:s22] =	ssyncset.done $0x0  }
0xa0: {  	[sflag:s22] =	ssyncadd.s32 s3;
	_ =	sdelay $0x1  }
0xa1: {  	s23 =	simm.s32 $0x1B8B  }
0xa2: {  	_ =	swait.ge [sflag:s23], $0x1  }
0xa3: {  	[sflag:s23] =	ssyncset.done $0x0  }
0xa4: {  	s25 =	simm.s32 $0x1B8E;
	s24 =	sld [smem:$0x3FFE];
	[sflag:s23] =	ssyncadd.s32 $0xFFFFFFFF  }
0xa5: {  	s26 =	simm.s32 $execute0_lowered;
	[smem:$0x3FD2] =	sst s25  }
0xa6: {  	s4 =	sshll.u32 s26, $0x1;
	_ =	strace $0x80000046;
	[dreg:$0x1] =	wrdreg $0xFFFFFFFF  }
0xa7: {  	s28 =	simm.s32 $_size_execute0_lowered;
	s2 =	sadd.s32 s2, s4;
	[dreg:$0x0] =	wrdreg $0x0  }
0xa8: {  	s4 =	sshll.u32 s28, $0x1;
	[dreg:$0x2] =	wrdreg s2  }
0xa9: {  	[dreg:$0x3] =	wrdreg s4  }
0xaa: {  	[dreg:$0x4] =	wrdreg $0xC0  }
0xab: {  	_ =	task [dreg:s6], $0x5FFFF  }
0xac: {  	[dreg:$0x1] =	wrdreg $0xFFFFFFFF  }
0xad: {  	[dreg:$0x0] =	wrdreg $0x60  }
0xae: {  	[dreg:$0x2] =	wrdreg s24  }
0xaf: {  	[dreg:$0x3] =	wrdreg $0xA  }
0xb0: {  	_ =	task.clear_ibuf [dreg:s6], $0x4FFFF;
	_ =	strace $0x90000046  }
0xb1: {  	s29 =	simm.s32 $0xA;
	_ =	strace $0x80000048  }
0xb2: {  	_ =	swait.ge [sflag:s29], $0x1  }
0xb3: {  	[sflag:s29] =	ssyncadd.s32 $0xFFFFFFFF  }
0xb4: {  	_ =	strace $0x90000048  }
0xb5: {  	_ =	sfence  }
0xb6: {  	s30 =	sld [smem:$0x0];
	_ =	sdelay $0x2  }
0xb7: {  	s31 =	sshll.u32 s1, $0xD;
	s1 =	sshrl.u32 s1, $0x2  }
0xb8: {  	s3 =	sand.u32 $0x4000, s31;
	s1 =	sadd.s32 s1, s30  }
0xb9: {  	s0 =	sor.u32 s3, s0;
	s1 =	sshll.u32 s1, $0x11  }
0xba: {  	s0 =	sor.u32 s1, s0  }
0xbb: {  	s0 =	sadd.s32 $0x8F2B, s0  }
0xbc: {  	[sflag:s0] =	ssyncadd.remote.s32 $0x1  }
0xbd: {  	_ =	sfence.sel $0xFFFF  }
0xbe: {  	[dreg:$0x0] =	wrdreg $0xFFFFFFFF;
	(pc) =	sbr.abs _section_cstart, $3  }
0xbf: {  	[dreg:$0x1] =	wrdreg $0xFFFFFFFF  }
0xc0: {  	_ =	task.clear_ibuf [dreg:s6], $0x2FFFF;
	_ =	strace $0x9FFFFFFF  }
0xc1: {  	(tm) =	ssettm $0x7FFFFFFF  }
tec
execute0_lowered:
.L_overlay_start_1:
0x0: {  	(tag) =	ssettag $0x1  }
0x1: {  	s1 =	srdreg.scid  }
0x2: {  	s0 =	stileid.u32;
	s10 =	sand.u32 $0x1, s1  }
0x3: {  	s8 =	rddreg [dreg:$0x0];
	s3 =	sshll.u32 s0, $0xA;
	s4 =	sshll.u32 s10, $0x9  }
0x4: {  	s2 =	simm.s32 $0x0;
	s1 =	rddreg [dreg:$0x1];
	s9 =	sor.u32 s4, s3  }
0x5: {  	[smem:$0x7FF] =	sst s2;
	s11 =	sadd.s32 $0x7C1400, s8;
	s3 =	sshrl.u32 s9, $0x3  }
0x6: {  	_ =	strace $0x80000047;
	s4 =	sadd.s32 s11, s3;
	s3 =	simm.s32 $0x2  }
0x7: {  	[tilespmem:s2], [sflag:$0x2] =	stream.linear.gather [hbm4b:s4+s2], $0x100, $0x38;
	[tilespmem:$0x8100] =	vst v63  }
0x8: {  	_ =	swait.ge [sflag:s3], $0x100  }
0x9: {  	s6 =	simm.s32 $0x100;
	[sflag:s3] =	ssyncset.done $0x0  }
0xa: {  	s7 =	simm.s32 $0x1;
	s5 =	sadd.s32 $0x1400, s8;
	[sflag:s3] =	ssyncadd.s32 $0xFFFFFF00  }
0xb: {  	[tilespmem:s6], [sflag:$0x1] =	stream.indirect.gather [hbm4b:s5+s6], $0x80, s2, s6, $0xb8;
	[tilespmem:$0x8100] =	vst v63  }
0xc: {  	_ =	swait.ge [sflag:s7], $0x8000  }
0xd: {  	s12 =	sadd.s32 $0x7C1C00, s8;
	s29 =	sshll.u32 s9, $0x4;
	[sflag:s7] =	ssyncset.done $0x0  }
0xe: {  	s8 =	sadd.s32 s12, s29;
	[sflag:s7] =	ssyncadd.s32 $0xFFFF8000  }
0xf: {  	[hbm4b:s8+s2] =	stream.linear.scatter [tilespmem:s6], [sflag:$0x2], $0x8000, $0x38;
	[tilespmem:$0x8100] =	vst v63  }
0x10: {  	s13 =	sor.u32 $0x100, s9;
	_ =	swait.ge [sflag:s3], $0x8000  }
0x11: {  	s9 =	sshrl.u32 s13, $0x3;
	[sflag:s3] =	ssyncset.done $0x0  }
0x12: {  	s10 =	ssub.s32 $0x2, s10;
	s9 =	sadd.s32 s11, s9;
	[sflag:s3] =	ssyncadd.s32 $0xFFFF8000  }
0x13: {  	[tilespmem:s2], [sflag:$0x2] =	stream.linear.gather [hbm4b:s9+s2], $0x100, $0x38;
	[tilespmem:$0x8100] =	vst v63  }
0x14: {  	s30 =	sshrl.u32 s10, $0x1;
	_ =	swait.ge [sflag:s3], $0x100  }
0x15: {  	s11 =	ssub.s32 s10, s30;
	[sflag:s3] =	ssyncset.done $0x0  }
0x16: {  	s11 =	smax.u32 s11, $0x1;
	[sflag:s3] =	ssyncadd.s32 $0xFFFFFF00  }
0x17: {  	[tilespmem:s6], [sflag:$0x1] =	stream.indirect.gather [hbm4b:s5+s6], $0x80, s2, s6, $0xb8;
	[tilespmem:$0x8100] =	vst v63  }
0x18: {  	p0 =	sne.s32 s11, $0x1;
	_ =	swait.ge [sflag:s7], $0x8000  }
.Ltmp0:
0x19: {  	s31 =	sshll.u32 s13, $0x4;
	[sflag:s7] =	ssyncset.done $0x0;
	(pc) =	sbr.rel @!p0 .LBB2_2-.Ltmp0, $4  }
0x1a: {  	s10 =	sadd.s32 s12, s31;
	[sflag:s7] =	ssyncadd.s32 $0xFFFF8000  }
0x1b: {  	[hbm4b:s10+s2] =	stream.linear.scatter [tilespmem:s6], [sflag:$0x2], $0x8000, $0x38;
	[tilespmem:$0x8100] =	vst v63  }
0x1c: {  	_ =	swait.ge [sflag:s3], $0x8000  }
0x1d: {  	s11 =	sadd.s32 $0xFFFFFFFF, s11;
	[sflag:s3] =	ssyncset.done $0x0  }
.LBB2_1:
0x1e: {  	p0 =	sne.s32 s11, $0x1;
	s11 =	sadd.s32 $0xFFFFFFFF, s11;
	[sflag:s3] =	ssyncadd.s32 $0xFFFF8000  }
0x1f: {  	[tilespmem:s2], [sflag:$0x2] =	stream.linear.gather [hbm4b:s4+s2], $0x100, $0x38;
	[tilespmem:$0x8100] =	vst v63  }
0x20: {  	_ =	swait.ge [sflag:s3], $0x100  }
0x21: {  	[sflag:s3] =	ssyncset.done $0x0  }
0x22: {  	[sflag:s3] =	ssyncadd.s32 $0xFFFFFF00  }
0x23: {  	[tilespmem:s6], [sflag:$0x1] =	stream.indirect.gather [hbm4b:s5+s6], $0x80, s2, s6, $0xb8;
	[tilespmem:$0x8100] =	vst v63  }
0x24: {  	_ =	swait.ge [sflag:s7], $0x8000  }
0x25: {  	[sflag:s7] =	ssyncset.done $0x0  }
0x26: {  	[sflag:s7] =	ssyncadd.s32 $0xFFFF8000  }
0x27: {  	[hbm4b:s8+s2] =	stream.linear.scatter [tilespmem:s6], [sflag:$0x2], $0x8000, $0x38;
	[tilespmem:$0x8100] =	vst v63  }
0x28: {  	_ =	swait.ge [sflag:s3], $0x8000  }
0x29: {  	[sflag:s3] =	ssyncset.done $0x0  }
0x2a: {  	[sflag:s3] =	ssyncadd.s32 $0xFFFF8000  }
0x2b: {  	[tilespmem:s2], [sflag:$0x2] =	stream.linear.gather [hbm4b:s9+s2], $0x100, $0x38;
	[tilespmem:$0x8100] =	vst v63  }
0x2c: {  	_ =	swait.ge [sflag:s3], $0x100  }
0x2d: {  	[sflag:s3] =	ssyncset.done $0x0  }
0x2e: {  	[sflag:s3] =	ssyncadd.s32 $0xFFFFFF00  }
0x2f: {  	[tilespmem:s6], [sflag:$0x1] =	stream.indirect.gather [hbm4b:s5+s6], $0x80, s2, s6, $0xb8;
	[tilespmem:$0x8100] =	vst v63  }
0x30: {  	_ =	swait.ge [sflag:s7], $0x8000  }
.Ltmp1:
0x31: {  	[sflag:s7] =	ssyncset.done $0x0;
	(pc) =	sbr.rel @p0 .LBB2_1-.Ltmp1, $4  }
0x32: {  	[sflag:s7] =	ssyncadd.s32 $0xFFFF8000  }
0x33: {  	[hbm4b:s10+s2] =	stream.linear.scatter [tilespmem:s6], [sflag:$0x2], $0x8000, $0x38;
	[tilespmem:$0x8100] =	vst v63  }
0x34: {  	_ =	swait.ge [sflag:s3], $0x8000  }
0x35: {  	[sflag:s3] =	ssyncset.done $0x0  }
.LBB2_2:
0x36: {  	[sflag:s3] =	ssyncadd.s32 $0xFFFF8000  }
0x37: {  	_ =	sfence.sel $0x180000  }
0x38: {  	[bflag:$0x0] =	sbarrier.arrive $0xFFFF  }
0x39: {  	p0 =	sne.s32 s0, $0x0;
	_ =	strace $0x90000047  }
0x3a: {  	s0 =	sadd.s32 @!p0 $0x100000, s1;
	[bflag:$0x2] =	sbarrier.arrive $0xFFFF  }
0x3b: {  	[sflag:s0] =	ssyncadd.tile.s32 @!p0 $0x1;
	_ =	shalt  }
.Lfunc_end2:
_tile_overlayer_lowered:
.L_overlay_start_2:
0x3c: {  	(tag) =	ssettag $0x2  }
0x3d: {  	s0 =	rddreg [dreg:$0x0];
	s2 =	stileid.u32  }
0x3e: {  	s1 =	rddreg [dreg:$0x1];
	p0 =	sne.s32 s2, $0x0  }
0x3f: {  	s3 =	rddreg [dreg:$0x2];
	[bflag:$0x3] =	sbarrier.arrive $0xFFFF;
	s2 =	simm.s32 @!p0 $0x1C02  }
0x40: {  	[timem:s3], [sflag:s2] =	dma.local @!p0 [hbm:s0], s1  }
0x41: {  	s0 =	simm.s32 @!p0 $0x2  }
0x42: {  	_ =	swait.ge @!p0 [sflag:s0], s1  }
0x43: {  	s1 =	ssub.s32 @!p0 $0x0, s1;
	[sflag:s0] =	ssyncset.done @!p0 $0x0  }
0x44: {  	[sflag:s0] =	ssyncadd.s32 @!p0 s1  }
0x45: {  	[bflag:$0x3] =	sbarrier.arrive $0xFFFF  }
0x46: {  	_ =	shalt  }

// kernel: kernel.7.cloned.1.call-start
scs
__scs_entry_jumppad:
0x0: {  	(pc) =	sbr.rel $0x88, $3  }
0x1: {  	(tag) =	ssettag $0x0;
	lr =	simm.s32 $0x1  }
0x2: {  	[smem:$0x3F99] =	sst lr;
	_ =	strace $0xD0000000  }
0x3: {  	_ = 	snop  }
0x4: {  	_ = 	snop  }
0x5: {  	_ = 	snop  }
0x6: {  	_ = 	snop  }
0x7: {  	_ = 	snop  }
__scs_overlays_trampoline_lowered:
0x8: {  	[smem:$0x3FA8] =	sst s0  }
0x9: {  	[smem:$0x3FA9] =	sst s1  }
0xa: {  	[smem:$0x3FAA] =	sst s2  }
0xb: {  	[smem:$0x3FAB] =	sst s3  }
0xc: {  	[smem:$0x3FAC] =	sst s4  }
0xd: {  	[smem:$0x3FAD] =	sst s5  }
0xe: {  	[smem:$0x3FAE] =	sst s6  }
0xf: {  	[smem:$0x3FAF] =	sst s7  }
0x10: {  	[smem:$0x3FB0] =	sst s8  }
0x11: {  	[smem:$0x3FB1] =	sst s9;
	s0 =	simm.s32 @!p0 $0x0  }
0x12: {  	s1 =	sld [smem:$0x3F97];
	s0 =	simm.s32 @p0 $0x1  }
0x13: {  	[smem:$0x3FB2] =	sst s0;
	s0 =	simm.s32 @!p1 $0x0  }
0x14: {  	s2 =	sld [smem:$0x3F96];
	s0 =	simm.s32 @p1 $0x1  }
0x15: {  	[smem:$0x3FB3] =	sst s0;
	s0 =	simm.s32 @!p2 $0x0  }
0x16: {  	s3 =	sld [smem:$0x3FDB];
	s0 =	simm.s32 @p2 $0x1  }
0x17: {  	s4 =	simm.s32 $0x1BF5;
	[smem:$0x3FB5] =	sst s0  }
0x18: {  	s0 =	sld [smem:$0x3F98];
	_ =	swait.ge [sflag:s4], $0x0  }
0x19: {  	s7 =	sld [smem:$0x3F99]  }
0x1a: {  	s8 =	sadd.s32 $0xFFFFE003, lr  }
0x1b: {  	s9 =	sadd.s32 $0xFFFFFEF7, lr;
	s5 =	simm.s32 $0xFFFFFFFF;
	p2 =	slt.u32 s8, $0xFFFFF086  }
0x1c: {  	p1 =	slt.u32 s9, $0xF7A;
	s5 =	simm.s32 @!p2 $0x0  }
0x1d: {  	s5 =	simm.s32 @p1 $0x1;
	p0 =	seq.s32 s7, s2  }
0x1e: {  	s7 =	smul.u32 @!p0 $0xF7A, s2;
	p2 =	seq.s32 @!p0 s5, $0x0  }
0x1f: {  	s9 =	smul.u32 $0xF7A, s1;
	s8 =	simm.s32 @!p0 $0x1BF5;
	p2 =	por !p2, p0  }
0x20: {  	[sflag:s8] =	ssyncset.s32 @!p0 $0xFFFFF086;
	s6 =	sadd.s32 @!p0 s3, s7;
	s7 =	simm.s32 @!p0 $0x108  }
0x21: {  	s3 =	sadd.s32 s3, s9;
	s6 =	sadd.s32 @!p0 $0x88, s6;
	s7 =	simm.s32 @p2 $0x1082  }
0x22: {  	[simem:s7], [sflag:s8] =	dma.local @!p0 [hbm:s6], $0xF7A  }
0x23: {  	s9 =	sor.u32 $0xD0000000, s2;
	s6 =	simm.s32 $0x108;
	_ =	swait.ge @!p0 [sflag:s8], $0x0  }
0x24: {  	s3 =	sadd.s32 $0x88, s3;
	s6 =	simm.s32 @!p1 $0x1082;
	[sflag:s4] =	ssyncset.s32 $0xFFFFF086  }
0x25: {  	[simem:s6], [sflag:s4] =	dma.local [hbm:s3], $0xF7A  }
0x26: {  	[smem:$0x3F99] =	sst s1;
	(tag) =	ssettag s2;
	_ =	strace s9  }
0x27: {  	s1 =	sld [smem:$0x3FA9]  }
0x28: {  	s2 =	sld [smem:$0x3FAA]  }
0x29: {  	s4 =	sld [smem:$0x3FAC]  }
0x2a: {  	p0 =	seq.s32 s5, $0x0;
	s5 =	sld [smem:$0x3FAD]  }
0x2b: {  	s6 =	sld [smem:$0x3FAE]  }
0x2c: {  	s7 =	sld [smem:$0x3FAF]  }
0x2d: {  	s3 =	simm.s32 $0x108;
	s8 =	sld [smem:$0x3FB0]  }
0x2e: {  	s3 =	simm.s32 @!p0 $0x1082;
	s9 =	sld [smem:$0x3FB1]  }
0x2f: {  	lr =	sadd.s32 s0, s3;
	s0 =	sld [smem:$0x3FA8]  }
0x30: {  	s3 =	sld [smem:$0x3FAB]  }
0x31: {  	[smem:$0x3FB4] =	sst s10  }
0x32: {  	s10 =	sld [smem:$0x3FB2];
	_ =	sdelay $0x3  }
0x33: {  	p0 =	seq.s32 s10, $0x1;
	s10 =	sld [smem:$0x3FB4];
	_ =	sdelay $0x3  }
0x34: {  	[smem:$0x3FB4] =	sst s10  }
0x35: {  	s10 =	sld [smem:$0x3FB3];
	_ =	sdelay $0x3  }
0x36: {  	p1 =	seq.s32 s10, $0x1;
	s10 =	sld [smem:$0x3FB4];
	_ =	sdelay $0x3  }
0x37: {  	[smem:$0x3FB4] =	sst s10  }
0x38: {  	s10 =	sld [smem:$0x3FB5]  }
0x39: {  	_ = 	snop;
	(pc) =	sbr.ind lr, $3  }
0x3a: {  	_ = 	snop  }
0x3b: {  	_ = 	snop  }
0x3c: {  	p2 =	seq.s32 s10, $0x1;
	s10 =	sld [smem:$0x3FB4]  }
0x3d: {  	_ =	shalt  }
0x3e: {  	_ =	shalt  }
0x3f: {  	_ =	shalt  }
0x40: {  	_ =	shalt  }
0x41: {  	_ =	shalt  }
0x42: {  	_ =	shalt  }
0x43: {  	_ =	shalt  }
0x44: {  	_ =	shalt  }
0x45: {  	_ =	shalt  }
0x46: {  	_ =	shalt  }
0x47: {  	_ =	shalt  }
0x48: {  	_ =	shalt  }
0x49: {  	_ =	shalt  }
0x4a: {  	_ =	shalt  }
0x4b: {  	_ =	shalt  }
0x4c: {  	_ =	shalt  }
0x4d: {  	_ =	shalt  }
0x4e: {  	_ =	shalt  }
0x4f: {  	_ =	shalt  }
0x50: {  	_ =	shalt  }
0x51: {  	_ =	shalt  }
0x52: {  	_ =	shalt  }
0x53: {  	_ =	shalt  }
0x54: {  	_ =	shalt  }
0x55: {  	_ =	shalt  }
0x56: {  	_ =	shalt  }
0x57: {  	_ =	shalt  }
0x58: {  	_ =	shalt  }
0x59: {  	_ =	shalt  }
0x5a: {  	_ =	shalt  }
0x5b: {  	_ =	shalt  }
0x5c: {  	_ =	shalt  }
0x5d: {  	_ =	shalt  }
0x5e: {  	_ =	shalt  }
0x5f: {  	_ =	shalt  }
0x60: {  	_ =	shalt  }
0x61: {  	_ =	shalt  }
0x62: {  	_ =	shalt  }
0x63: {  	_ =	shalt  }
0x64: {  	_ =	shalt  }
0x65: {  	_ =	shalt  }
0x66: {  	_ =	shalt  }
0x67: {  	_ =	shalt  }
0x68: {  	_ =	shalt  }
0x69: {  	_ =	shalt  }
0x6a: {  	_ =	shalt  }
0x6b: {  	_ =	shalt  }
0x6c: {  	_ =	shalt  }
0x6d: {  	_ =	shalt  }
0x6e: {  	_ =	shalt  }
0x6f: {  	_ =	shalt  }
0x70: {  	_ =	shalt  }
0x71: {  	_ =	shalt  }
0x72: {  	_ =	shalt  }
0x73: {  	_ =	shalt  }
0x74: {  	_ =	shalt  }
0x75: {  	_ =	shalt  }
0x76: {  	_ =	shalt  }
0x77: {  	_ =	shalt  }
0x78: {  	_ =	shalt  }
0x79: {  	_ =	shalt  }
0x7a: {  	_ =	shalt  }
0x7b: {  	_ =	shalt  }
0x7c: {  	_ =	shalt  }
0x7d: {  	_ =	shalt  }
0x7e: {  	_ =	shalt  }
0x7f: {  	_ =	shalt  }
0x80: {  	_ =	shalt  }
0x81: {  	_ =	shalt  }
0x82: {  	_ =	shalt  }
0x83: {  	_ =	shalt  }
0x84: {  	_ =	shalt  }
0x85: {  	_ =	shalt  }
0x86: {  	_ =	shalt  }
0x87: {  	_ =	shalt  }
.Lfunc_end0:
.L_simem_size_0:
called_computation_lowered:
.L_overlay_start_0:
0x88: {  	s2 =	sld [smem:$0x3FD9]  }
0x89: {  	s3 =	sld [smem:$0x3FFE];
	_ =	sdelay $0x1  }
0x8a: {  	s1 =	srdreg.scid  }
0x8b: {  	s0 =	sand.u32 $0x1, s1  }
0x8c: {  	s17 =	sshll.u32 s0, $0xA;
	s2 =	sadd.s32 s3, s2  }
0x8d: {  	s2 =	sadd.s32 s2, s17  }
0x8e: {  	[smem:$0x3FC0] =	sst s2  }
0x8f: {  	_ = 	snop  }
0x90: {  	s18 =	sld [smem:$0x3FD0];
	(tm) =	ssettm $0x1  }
0x91: {  	s19 =	sld [smem:$0x3FFB];
	_ =	sdelay $0x3  }
0x92: {  	_ =	strace s19  }
0x93: {  	s2 =	sld [smem:$0x3FFC];
	_ =	sdelay $0x3  }
0x94: {  	_ =	strace s2  }
0x95: {  	s2 =	sld [smem:$0x3FFD];
	_ =	sdelay $0x3  }
0x96: {  	_ =	strace s2  }
0x97: {  	_ =	strace $0x8FFFFFFF  }
0x98: {  	s20 =	sld [smem:$0x3FDB];
	_ =	sdelay $0x1  }
0x99: {  	s4 =	simm.s32 $_scs_section_size  }
0x9a: {  	s5 =	simm.s32 $_size__tile_overlayer_lowered;
	s6 =	simm.s32 $_tile_overlayer_lowered  }
0x9b: {  	s7 =	simm.s32 $0x1BFF;
	s21 =	sshll.u32 s6, $0x1;
	s4 =	sadd.s32 s4, s20  }
0x9c: {  	s22 =	simm.s32 $0x0;
	s5 =	sshll.u32 s5, $0x1;
	s6 =	sadd.s32 s21, s4  }
0x9d: {  	[timem:s22], [sflag:s7] =	dma.local [hbm:s6], s5  }
0x9e: {  	_ =	swait.ge [sflag:s7], s5  }
0x9f: {  	s5 =	ssub.s32 $0x0, s5;
	[sflag:s7] =	ssyncset.done $0x0  }
0xa0: {  	[sflag:s7] =	ssyncadd.s32 s5;
	_ =	sdelay $0x1  }
0xa1: {  	s23 =	simm.s32 $0x1B8B  }
0xa2: {  	_ =	swait.ge [sflag:s23], $0x1  }
0xa3: {  	[sflag:s23] =	ssyncset.done $0x0  }
0xa4: {  	[sflag:s23] =	ssyncadd.s32 $0xFFFFFFFF  }
0xa5: {  	s5 =	sld [smem:$0x0]  }
0xa6: {  	s6 =	sand.u32 $0xFFFFFFFE, s1  }
0xa7: {  	p0 =	sne.s32 s1, s6  }
0xa8: {  	s6 =	sshll.u32 @p0 s6, $0xE  }
0xa9: {  	s6 =	sadd.s32 @p0 $0x11B8D, s6;
	s7 =	sshll.u32 @p0 s5, $0x11  }
0xaa: {  	s6 =	sor.u32 @p0 s7, s6  }
0xab: {  	[sflag:s6] =	ssyncadd.remote.s32 @p0 $0x1;
	_ =	sdelay $0x1  }
0xac: {  	s6 =	simm.s32 @p0 $0x1B8D  }
0xad: {  	_ =	swait.eq @p0 [sflag:s6], $0x1  }
0xae: {  	[sflag:s6] =	ssyncadd.s32 @p0 $0xFFFFFFFF  }
0xaf: {  	s7 =	sshll.u32 @!p0 s1, $0xE  }
0xb0: {  	s7 =	sor.u32 @!p0 $0x4000, s7;
	s6 =	simm.s32 @!p0 $0x1B8D  }
0xb1: {  	s5 =	sshll.u32 @!p0 s5, $0x11;
	s7 =	sadd.s32 @!p0 $0x11B8D, s7;
	_ =	swait.eq @!p0 [sflag:s6], $0x1  }
0xb2: {  	s5 =	sor.u32 @!p0 s5, s7;
	[sflag:s6] =	ssyncadd.s32 @!p0 $0xFFFFFFFF  }
0xb3: {  	s25 =	simm.s32 $0x1B8E;
	s24 =	sld [smem:$0x3FFE];
	[sflag:s5] =	ssyncadd.remote.s32 @!p0 $0x1  }
0xb4: {  	s26 =	simm.s32 $execute0_lowered;
	[smem:$0x3FD2] =	sst s25  }
0xb5: {  	s6 =	sshll.u32 s26, $0x1;
	_ =	strace $0x80000049;
	[dreg:$0x1] =	wrdreg $0xFFFFFFFF  }
0xb6: {  	s28 =	simm.s32 $_size_execute0_lowered;
	s4 =	sadd.s32 s4, s6;
	[dreg:$0x0] =	wrdreg $0x0  }
0xb7: {  	s6 =	sshll.u32 s28, $0x1;
	[dreg:$0x2] =	wrdreg s4  }
0xb8: {  	[dreg:$0x3] =	wrdreg s6  }
0xb9: {  	[dreg:$0x4] =	wrdreg $0xC0  }
0xba: {  	_ =	task [dreg:s22], $0x5FFFF  }
0xbb: {  	[dreg:$0x1] =	wrdreg $0xFFFFFFFF  }
0xbc: {  	[dreg:$0x0] =	wrdreg $0x60  }
0xbd: {  	[dreg:$0x2] =	wrdreg s24  }
0xbe: {  	[dreg:$0x3] =	wrdreg s18  }
0xbf: {  	[dreg:$0x4] =	wrdreg $0x9  }
0xc0: {  	_ =	task.clear_ibuf [dreg:s22], $0x5FFFF;
	_ =	strace $0x90000049  }
0xc1: {  	s29 =	simm.s32 $0x9;
	_ =	strace $0x8000004B  }
0xc2: {  	_ =	swait.ge [sflag:s29], $0x1  }
0xc3: {  	[sflag:s29] =	ssyncadd.s32 $0xFFFFFFFF  }
0xc4: {  	_ =	strace $0x9000004B  }
0xc5: {  	_ =	sfence  }
0xc6: {  	s30 =	sld [smem:$0x0];
	_ =	sdelay $0x2  }
0xc7: {  	s31 =	sshll.u32 s1, $0xD;
	s1 =	sshrl.u32 s1, $0x2  }
0xc8: {  	s4 =	sand.u32 $0x4000, s31;
	s1 =	sadd.s32 s1, s30  }
0xc9: {  	s0 =	sor.u32 s4, s0;
	s1 =	sshll.u32 s1, $0x11  }
0xca: {  	s0 =	sor.u32 s1, s0  }
0xcb: {  	s0 =	sadd.s32 $0x8F2B, s0  }
0xcc: {  	[sflag:s0] =	ssyncadd.remote.s32 $0x1  }
0xcd: {  	_ =	sfence.sel $0xFFFF  }
0xce: {  	[dreg:$0x0] =	wrdreg $0xFFFFFFFF;
	(pc) =	sbr.abs _section_cstart, $3  }
0xcf: {  	[dreg:$0x1] =	wrdreg $0xFFFFFFFF  }
0xd0: {  	_ =	task.clear_ibuf [dreg:s22], $0x2FFFF;
	_ =	strace $0x9FFFFFFF  }
0xd1: {  	(tm) =	ssettm $0x7FFFFFFF  }
tec
execute0_lowered:
.L_overlay_start_1:
0x0: {  	(tag) =	ssettag $0x1  }
0x1: {  	s1 =	srdreg.scid  }
0x2: {  	s8 =	rddreg [dreg:$0x0];
	s0 =	stileid.u32;
	s10 =	sand.u32 $0x1, s1  }
0x3: {  	s9 =	rddreg [dreg:$0x1];
	s3 =	sshll.u32 s0, $0xA;
	s4 =	sshll.u32 s10, $0x9  }
0x4: {  	s2 =	simm.s32 $0x0;
	s1 =	rddreg [dreg:$0x2];
	s11 =	sor.u32 s4, s3  }
0x5: {  	[smem:$0x7FF] =	sst s2;
	s3 =	sshrl.u32 s11, $0x3  }
0x6: {  	_ =	strace $0x8000004A;
	s4 =	sadd.s32 s9, s3;
	s3 =	simm.s32 $0x2  }
0x7: {  	[tilespmem:s2], [sflag:$0x2] =	stream.linear.gather [hbm4b:s4+s2], $0x100, $0x38;
	[tilespmem:$0x8100] =	vst v63  }
0x8: {  	_ =	swait.ge [sflag:s3], $0x100  }
0x9: {  	s6 =	simm.s32 $0x100;
	[sflag:s3] =	ssyncset.done $0x0  }
0xa: {  	s7 =	simm.s32 $0x1;
	s5 =	sadd.s32 $0x801C00, s8;
	[sflag:s3] =	ssyncadd.s32 $0xFFFFFF00  }
0xb: {  	[tilespmem:s6], [sflag:$0x1] =	stream.indirect.gather [hbm4b:s5+s6], $0x80, s2, s6, $0xb8;
	[tilespmem:$0x8100] =	vst v63  }
0xc: {  	_ =	swait.ge [sflag:s7], $0x8000  }
0xd: {  	s12 =	sadd.s32 $0xFC1C00, s8;
	s28 =	sshll.u32 s11, $0x4;
	[sflag:s7] =	ssyncset.done $0x0  }
0xe: {  	s8 =	sadd.s32 s12, s28;
	[sflag:s7] =	ssyncadd.s32 $0xFFFF8000  }
0xf: {  	[hbm4b:s8+s2] =	stream.linear.scatter [tilespmem:s6], [sflag:$0x2], $0x8000, $0x38;
	[tilespmem:$0x8100] =	vst v63  }
0x10: {  	s11 =	sor.u32 $0x100, s11;
	_ =	swait.ge [sflag:s3], $0x8000  }
0x11: {  	s13 =	sshrl.u32 s11, $0x3;
	[sflag:s3] =	ssyncset.done $0x0  }
0x12: {  	s10 =	ssub.s32 $0x2, s10;
	s9 =	sadd.s32 s9, s13;
	[sflag:s3] =	ssyncadd.s32 $0xFFFF8000  }
0x13: {  	[tilespmem:s2], [sflag:$0x2] =	stream.linear.gather [hbm4b:s9+s2], $0x100, $0x38;
	[tilespmem:$0x8100] =	vst v63  }
0x14: {  	s29 =	sshrl.u32 s10, $0x1;
	_ =	swait.ge [sflag:s3], $0x100  }
0x15: {  	s13 =	ssub.s32 s10, s29;
	[sflag:s3] =	ssyncset.done $0x0  }
0x16: {  	s31 =	smax.u32 s13, $0x1;
	[sflag:s3] =	ssyncadd.s32 $0xFFFFFF00  }
0x17: {  	[tilespmem:s6], [sflag:$0x1] =	stream.indirect.gather [hbm4b:s5+s6], $0x80, s2, s6, $0xb8;
	[tilespmem:$0x8100] =	vst v63  }
0x18: {  	p0 =	sne.s32 s31, $0x1;
	_ =	swait.ge [sflag:s7], $0x8000  }
.Ltmp0:
0x19: {  	s30 =	sshll.u32 s11, $0x4;
	[sflag:s7] =	ssyncset.done $0x0;
	(pc) =	sbr.rel @!p0 .LBB2_2-.Ltmp0, $4  }
0x1a: {  	s10 =	sadd.s32 s12, s30;
	[sflag:s7] =	ssyncadd.s32 $0xFFFF8000  }
0x1b: {  	[hbm4b:s10+s2] =	stream.linear.scatter [tilespmem:s6], [sflag:$0x2], $0x8000, $0x38;
	[tilespmem:$0x8100] =	vst v63  }
0x1c: {  	_ =	swait.ge [sflag:s3], $0x8000  }
0x1d: {  	s11 =	sadd.s32 $0xFFFFFFFF, s31;
	[sflag:s3] =	ssyncset.done $0x0  }
.LBB2_1:
0x1e: {  	p0 =	sne.s32 s11, $0x1;
	s11 =	sadd.s32 $0xFFFFFFFF, s11;
	[sflag:s3] =	ssyncadd.s32 $0xFFFF8000  }
0x1f: {  	[tilespmem:s2], [sflag:$0x2] =	stream.linear.gather [hbm4b:s4+s2], $0x100, $0x38;
	[tilespmem:$0x8100] =	vst v63  }
0x20: {  	_ =	swait.ge [sflag:s3], $0x100  }
0x21: {  	[sflag:s3] =	ssyncset.done $0x0  }
0x22: {  	[sflag:s3] =	ssyncadd.s32 $0xFFFFFF00  }
0x23: {  	[tilespmem:s6], [sflag:$0x1] =	stream.indirect.gather [hbm4b:s5+s6], $0x80, s2, s6, $0xb8;
	[tilespmem:$0x8100] =	vst v63  }
0x24: {  	_ =	swait.ge [sflag:s7], $0x8000  }
0x25: {  	[sflag:s7] =	ssyncset.done $0x0  }
0x26: {  	[sflag:s7] =	ssyncadd.s32 $0xFFFF8000  }
0x27: {  	[hbm4b:s8+s2] =	stream.linear.scatter [tilespmem:s6], [sflag:$0x2], $0x8000, $0x38;
	[tilespmem:$0x8100] =	vst v63  }
0x28: {  	_ =	swait.ge [sflag:s3], $0x8000  }
0x29: {  	[sflag:s3] =	ssyncset.done $0x0  }
0x2a: {  	[sflag:s3] =	ssyncadd.s32 $0xFFFF8000  }
0x2b: {  	[tilespmem:s2], [sflag:$0x2] =	stream.linear.gather [hbm4b:s9+s2], $0x100, $0x38;
	[tilespmem:$0x8100] =	vst v63  }
0x2c: {  	_ =	swait.ge [sflag:s3], $0x100  }
0x2d: {  	[sflag:s3] =	ssyncset.done $0x0  }
0x2e: {  	[sflag:s3] =	ssyncadd.s32 $0xFFFFFF00  }
0x2f: {  	[tilespmem:s6], [sflag:$0x1] =	stream.indirect.gather [hbm4b:s5+s6], $0x80, s2, s6, $0xb8;
	[tilespmem:$0x8100] =	vst v63  }
0x30: {  	_ =	swait.ge [sflag:s7], $0x8000  }
.Ltmp1:
0x31: {  	[sflag:s7] =	ssyncset.done $0x0;
	(pc) =	sbr.rel @p0 .LBB2_1-.Ltmp1, $4  }
0x32: {  	[sflag:s7] =	ssyncadd.s32 $0xFFFF8000  }
0x33: {  	[hbm4b:s10+s2] =	stream.linear.scatter [tilespmem:s6], [sflag:$0x2], $0x8000, $0x38;
	[tilespmem:$0x8100] =	vst v63  }
0x34: {  	_ =	swait.ge [sflag:s3], $0x8000  }
0x35: {  	[sflag:s3] =	ssyncset.done $0x0  }
.LBB2_2:
0x36: {  	[sflag:s3] =	ssyncadd.s32 $0xFFFF8000  }
0x37: {  	_ =	sfence.sel $0x180000  }
0x38: {  	[bflag:$0x0] =	sbarrier.arrive $0xFFFF  }
0x39: {  	p0 =	sne.s32 s0, $0x0;
	_ =	strace $0x9000004A  }
0x3a: {  	s0 =	sadd.s32 @!p0 $0x100000, s1;
	[bflag:$0x2] =	sbarrier.arrive $0xFFFF  }
0x3b: {  	[sflag:s0] =	ssyncadd.tile.s32 @!p0 $0x1;
	_ =	shalt  }
.Lfunc_end2:
_tile_overlayer_lowered:
.L_overlay_start_2:
0x3c: {  	(tag) =	ssettag $0x2  }
0x3d: {  	s0 =	rddreg [dreg:$0x0];
	s2 =	stileid.u32  }
0x3e: {  	s1 =	rddreg [dreg:$0x1];
	p0 =	sne.s32 s2, $0x0  }
0x3f: {  	s3 =	rddreg [dreg:$0x2];
	[bflag:$0x3] =	sbarrier.arrive $0xFFFF;
	s2 =	simm.s32 @!p0 $0x1C02  }
0x40: {  	[timem:s3], [sflag:s2] =	dma.local @!p0 [hbm:s0], s1  }
0x41: {  	s0 =	simm.s32 @!p0 $0x2  }
0x42: {  	_ =	swait.ge @!p0 [sflag:s0], s1  }
0x43: {  	s1 =	ssub.s32 @!p0 $0x0, s1;
	[sflag:s0] =	ssyncset.done @!p0 $0x0  }
0x44: {  	[sflag:s0] =	ssyncadd.s32 @!p0 s1  }
0x45: {  	[bflag:$0x3] =	sbarrier.arrive $0xFFFF  }
0x46: {  	_ =	shalt  }

</sc_bundles>
